<compile_context>
chip_gen: v7x
topology: tpu7x:2x2x1
jax: 0.10.2.dev20260603
libtpu: 0.0.44.dev20260713+nightly
codegen_flags: <defaults>
</compile_context>

<pallas_src>
import functools

import jax
import jax.numpy as jnp
from jax import lax
from jax.experimental import pallas as pl
from jax.experimental.pallas import tpu as pltpu
from jax.experimental.pallas import tpu_sc as plsc

_L16 = 16


@functools.lru_cache(maxsize=None)
def _make_sc_kernel(N, D, CH, POS2):
    NW = 32
    rows_per_w = N // NW
    n_chunks = rows_per_w // CH
    mesh = plsc.VectorSubcoreMesh(core_axis_name="c", subcore_axis_name="s")

    @functools.partial(
        pl.kernel,
        out_type=jax.ShapeDtypeStruct((N, D), jnp.float32),
        mesh=mesh,
        scratch_types=[
            pltpu.VMEM((CH,), jnp.int32),
            pltpu.VMEM((CH,), jnp.int32),
            pltpu.VMEM((CH,), jnp.int32),
            pltpu.VMEM((CH, D), jnp.float32),
            pltpu.VMEM((CH, D), jnp.float32),
            pltpu.VMEM((POS2, D), jnp.float32),
            pltpu.SemaphoreType.DMA,
        ],
    )
    def sc_kernel(tokens_hbm, segs_hbm, tok_table_hbm, aux_hbm, pos2_hbm,
                  out_hbm, tok_v, seg_v, cidx_v, acc_v, aux_v, pos_v, sem):
        wid = lax.axis_index("s") * 2 + lax.axis_index("c")
        w_base = wid * rows_per_w
        L = POS2 // 2

        pltpu.sync_copy(pos2_hbm, pos_v)

        def chunk_body(c, carry):
            base = w_base + c * CH
            pltpu.sync_copy(tokens_hbm.at[pl.ds(base, CH)], tok_v)
            pltpu.sync_copy(segs_hbm.at[pl.ds(base, CH)], seg_v)
            gather = pltpu.async_copy(tok_table_hbm.at[tok_v], acc_v, sem)
            for j in range(CH // _L16):
                sl = pl.ds(j * _L16, _L16)
                t = tok_v[sl]
                s = seg_v[sl]
                cidx_v[sl] = jnp.where(t == 0, s + 2, s)
            gather.wait()
            pltpu.async_copy(aux_hbm.at[cidx_v], aux_v, sem).wait()

            p0 = lax.rem(c * CH, L)

            def row_body(r, carry2):
                pr = p0 + r
                for g in range(D // _L16):
                    sl = pl.ds(g * _L16, _L16)
                    acc_v[r, sl] = acc_v[r, sl] + aux_v[r, sl] + pos_v[pr, sl]
                return carry2

            lax.fori_loop(0, CH, row_body, 0, unroll=False)
            pltpu.sync_copy(acc_v, out_hbm.at[pl.ds(base, CH)])
            return carry

        lax.fori_loop(0, n_chunks, chunk_body, 0, unroll=False)

    return sc_kernel


def kernel(tokens, segments, tok_table, pos_table, seg_table):
    B, L = tokens.shape
    V, D = tok_table.shape
    N = B * L

    tok0 = tok_table[0]
    segz = seg_table.at[0].set(0.0)
    aux = jnp.concatenate([segz, segz - tok0[None, :]], axis=0)
    pos2 = jnp.concatenate([pos_table, pos_table], axis=0)

    tokens_f = tokens.reshape(-1).astype(jnp.int32)
    segs_f = segments.reshape(-1).astype(jnp.int32)

    sc = _make_sc_kernel(N, D, 128, 2 * L)
    out = sc(tokens_f, segs_f, tok_table, aux, pos2)
    return out.reshape(B, L, D)

# --- scband reference (transcript-rebuilt; emitter-appended) ---
"""Pipeline reference for scband-input-embedding-11811160064164 (READ-ONLY COPY).

The authoritative reference and input builder live on the scoring server;
editing this copy changes nothing except your own understanding.
"""

import jax, jax.numpy as jnp
import numpy as np

B, L, V, S, D = 1024, 200, 100000, 2, 128

def setup_inputs(seed: int = 0) -> dict:
    key = jax.random.key(seed)
    k1, k2, k3, k4, k5 = jax.random.split(key, 5)
    tokens = jax.random.randint(k1, (B, L), 0, V, dtype=jnp.int64 if jax.config.jax_enable_x64 else jnp.int32)
    segments = jax.random.randint(k2, (B, L), 0, S, dtype=jnp.int64 if jax.config.jax_enable_x64 else jnp.int32)
    tok_table = jax.random.normal(k3, (V, D), dtype=jnp.float32)
    pos_table = jax.random.normal(k4, (L, D), dtype=jnp.float32)
    seg_table = jax.random.normal(k5, (S, D), dtype=jnp.float32)
    return {"tokens": tokens, "segments": segments, "tok_table": tok_table, "pos_table": pos_table, "seg_table": seg_table}

def reference(tokens, segments, tok_table, pos_table, seg_table):
    # padding_idx=0 for token and segment embeddings -> row 0 is zero
    tok = tok_table.at[0].set(0.0)
    seg = seg_table.at[0].set(0.0)
    # TokenEmbedding lookup
    x = jnp.take(tok, tokens, axis=0)            # [B, L, D]
    # PositionalEmbedding: weight repeated over batch (ignores token values)
    x = x + pos_table[None, :, :]                # broadcast [1, L, D]
    # SegmentEmbedding lookup
    x = x + jnp.take(seg, segments, axis=0)      # [B, L, D]
    # dropout is identity in eval mode
    return x

if __name__ == "__main__":
    import jax
    _d = setup_inputs()
    print(jax.jit(kernel)(*tuple(_d.values())))

</pallas_src>

<mosaic_0001>
#map = affine_map<(d0, d1) -> (0)>
#map1 = affine_map<(d0, d1) -> (0, 0)>
module attributes {stable_mosaic.version = 14 : i64} {
  func.func @sc_kernel(%arg0: i32, %arg1: i32, %arg2: memref<204800xi32, #tpu.memory_space<hbm>>, %arg3: memref<204800xi32, #tpu.memory_space<hbm>>, %arg4: memref<100000x128xf32, #tpu.memory_space<hbm>>, %arg5: memref<4x128xf32, #tpu.memory_space<hbm>>, %arg6: memref<400x128xf32, #tpu.memory_space<hbm>>, %arg7: memref<204800x128xf32, #tpu.memory_space<hbm>>, %arg8: memref<128xi32, #tpu.memory_space<vmem>>, %arg9: memref<128xi32, #tpu.memory_space<vmem>>, %arg10: memref<128xi32, #tpu.memory_space<vmem>>, %arg11: memref<128x128xf32, #tpu.memory_space<vmem>>, %arg12: memref<128x128xf32, #tpu.memory_space<vmem>>, %arg13: memref<400x128xf32, #tpu.memory_space<vmem>>, %arg14: memref<!tpu.dma_semaphore, #tpu.memory_space<semaphore_mem>>) attributes {dimension_semantics = [#tpu.dimension_semantics<core_parallel>, #tpu.dimension_semantics<subcore_parallel>], iteration_bounds = array<i64: 2, 16>, scalar_prefetch = 0 : i64, scratch_operands = 7 : i64, tpu.core_type = #tpu.core_type<sc_vector_subcore>, window_params = [{transform_indices = #map}, {transform_indices = #map}, {transform_indices = #map1}, {transform_indices = #map1}, {transform_indices = #map1}, {transform_indices = #map1}]} {
    %mul3A = arith.constant 2 : i32
    %mul3A_0 = arith.muli %arg1, %mul3A : i32
    %add3A = arith.addi %mul3A_0, %arg0 : i32
    %mul3A_1 = arith.constant 6400 : i32
    %mul3A_2 = arith.muli %add3A, %mul3A_1 : i32
    "tpu.region"() ({
      %run_scoped3A = tpu.sem_alloc : memref<!tpu.dma_semaphore, #tpu.memory_space<semaphore_mem>>
      tpu.enqueue_dma source(%arg6 : memref<400x128xf32, #tpu.memory_space<hbm>>) target(%arg13 : memref<400x128xf32, #tpu.memory_space<vmem>>) target_semaphore(%run_scoped3A : memref<!tpu.dma_semaphore, #tpu.memory_space<semaphore_mem>>)
      tpu.wait_dma2 semaphore(%run_scoped3A : memref<!tpu.dma_semaphore, #tpu.memory_space<semaphore_mem>>) src(%arg6 : memref<400x128xf32, #tpu.memory_space<hbm>>) dst(%arg13 : memref<400x128xf32, #tpu.memory_space<vmem>>)
      tpu.yield
    }) : () -> ()
    %scan3A = arith.constant 0 : i32
    %scan3A_3 = arith.constant 0 : i32
    %scan3A_4 = arith.constant 50 : i32
    %scan3A_5 = arith.addi %scan3A_3, %scan3A_4 : i32
    %scan3A_6 = arith.constant 1 : i32
    scf.for %scan3A_8 = %scan3A_3 to %scan3A_5 step %scan3A_6  : i32 {
      %mul3A_9 = arith.constant 128 : i32
      %mul3A_10 = arith.muli %scan3A_8, %mul3A_9 : i32
      %add3A_11 = arith.addi %mul3A_2, %mul3A_10 : i32
      "tpu.region"() ({
        %run_scoped3A = tpu.sem_alloc : memref<!tpu.dma_semaphore, #tpu.memory_space<semaphore_mem>>
        %dma_start3A_163 = tpu.memref_slice %arg2[%add3A_11] : memref<204800xi32, #tpu.memory_space<hbm>> -> memref<128xi32, #tpu.memory_space<hbm>>
        %dma_start3A_164 = tpu.memref_slice %arg2[%add3A_11] : memref<204800xi32, #tpu.memory_space<hbm>> -> memref<128xi32, #tpu.memory_space<hbm>>
        tpu.enqueue_dma source(%dma_start3A_164 : memref<128xi32, #tpu.memory_space<hbm>>) target(%arg8 : memref<128xi32, #tpu.memory_space<vmem>>) target_semaphore(%run_scoped3A : memref<!tpu.dma_semaphore, #tpu.memory_space<semaphore_mem>>)
        %dma_wait3A_165 = tpu.memref_slice %arg2[%add3A_11] : memref<204800xi32, #tpu.memory_space<hbm>> -> memref<128xi32, #tpu.memory_space<hbm>>
        %dma_wait3A_166 = tpu.memref_slice %arg2[%add3A_11] : memref<204800xi32, #tpu.memory_space<hbm>> -> memref<128xi32, #tpu.memory_space<hbm>>
        tpu.wait_dma2 semaphore(%run_scoped3A : memref<!tpu.dma_semaphore, #tpu.memory_space<semaphore_mem>>) src(%dma_wait3A_166 : memref<128xi32, #tpu.memory_space<hbm>>) dst(%arg8 : memref<128xi32, #tpu.memory_space<vmem>>)
        tpu.yield
      }) : () -> ()
      "tpu.region"() ({
        %run_scoped3A = tpu.sem_alloc : memref<!tpu.dma_semaphore, #tpu.memory_space<semaphore_mem>>
        %dma_start3A_163 = tpu.memref_slice %arg3[%add3A_11] : memref<204800xi32, #tpu.memory_space<hbm>> -> memref<128xi32, #tpu.memory_space<hbm>>
        %dma_start3A_164 = tpu.memref_slice %arg3[%add3A_11] : memref<204800xi32, #tpu.memory_space<hbm>> -> memref<128xi32, #tpu.memory_space<hbm>>
        tpu.enqueue_dma source(%dma_start3A_164 : memref<128xi32, #tpu.memory_space<hbm>>) target(%arg9 : memref<128xi32, #tpu.memory_space<vmem>>) target_semaphore(%run_scoped3A : memref<!tpu.dma_semaphore, #tpu.memory_space<semaphore_mem>>)
        %dma_wait3A_165 = tpu.memref_slice %arg3[%add3A_11] : memref<204800xi32, #tpu.memory_space<hbm>> -> memref<128xi32, #tpu.memory_space<hbm>>
        %dma_wait3A_166 = tpu.memref_slice %arg3[%add3A_11] : memref<204800xi32, #tpu.memory_space<hbm>> -> memref<128xi32, #tpu.memory_space<hbm>>
        tpu.wait_dma2 semaphore(%run_scoped3A : memref<!tpu.dma_semaphore, #tpu.memory_space<semaphore_mem>>) src(%dma_wait3A_166 : memref<128xi32, #tpu.memory_space<hbm>>) dst(%arg9 : memref<128xi32, #tpu.memory_space<vmem>>)
        tpu.yield
      }) : () -> ()
      %dma_start3A = arith.constant 0 : i32
      %dma_start3A_12 = arith.constant 0 : i32
      %dma_start3A_13 = tpu.memref_slice %arg4[%dma_start3A, %dma_start3A_12] : memref<100000x128xf32, #tpu.memory_space<hbm>> -> memref<100000x128xf32, #tpu.memory_space<hbm>>
      tpu.enqueue_indirect_dma source(%dma_start3A_13 : memref<100000x128xf32, #tpu.memory_space<hbm>>) target(%arg11 : memref<128x128xf32, #tpu.memory_space<vmem>>) offsets(%arg8 : memref<128xi32, #tpu.memory_space<vmem>>) semaphore(%arg14 : memref<!tpu.dma_semaphore, #tpu.memory_space<semaphore_mem>>)
      %get3A = arith.constant 0 : index
      %get3A_14 = tpu.vector_load %arg8[%get3A] {strides = array<i32>} : memref<128xi32, #tpu.memory_space<vmem>>, vector<16xi32>,
      %get3A_15 = vector.shape_cast %get3A_14 : vector<16xi32> to vector<16xi32>
      %get3A_16 = arith.constant 0 : index
      %get3A_17 = tpu.vector_load %arg9[%get3A_16] {strides = array<i32>} : memref<128xi32, #tpu.memory_space<vmem>>, vector<16xi32>,
      %get3A_18 = vector.shape_cast %get3A_17 : vector<16xi32> to vector<16xi32>
      %eq3A = arith.constant 0 : i32
      %eq3A_19 = vector.broadcast %eq3A : i32 to vector<16xi32>
      %eq3A_20 = arith.cmpi eq, %get3A_15, %eq3A_19 : vector<16xi32>
      %add3A_21 = arith.constant 2 : i32
      %add3A_22 = vector.broadcast %add3A_21 : i32 to vector<16xi32>
      %add3A_23 = arith.addi %get3A_18, %add3A_22 : vector<16xi32>
      %select_n3A = arith.select %eq3A_20, %add3A_23, %get3A_18 : vector<16xi1>, vector<16xi32>
      %swap3A = arith.constant 0 : index
      %swap3A_24 = tpu.vector_load %arg10[%swap3A] {strides = array<i32>} : memref<128xi32, #tpu.memory_space<vmem>>, vector<16xi32>,
      %swap3A_25 = vector.shape_cast %swap3A_24 : vector<16xi32> to vector<16xi32>
      %swap3A_26 = vector.shape_cast %select_n3A : vector<16xi32> to vector<16xi32>
      tpu.vector_store %arg10[%swap3A], %swap3A_26 {strides = array<i32>} : memref<128xi32, #tpu.memory_space<vmem>>, vector<16xi32>,
      %get3A_27 = arith.constant 16 : index
      %get3A_28 = tpu.vector_load %arg8[%get3A_27] {strides = array<i32>} : memref<128xi32, #tpu.memory_space<vmem>>, vector<16xi32>,
      %get3A_29 = vector.shape_cast %get3A_28 : vector<16xi32> to vector<16xi32>
      %get3A_30 = arith.constant 16 : index
      %get3A_31 = tpu.vector_load %arg9[%get3A_30] {strides = array<i32>} : memref<128xi32, #tpu.memory_space<vmem>>, vector<16xi32>,
      %get3A_32 = vector.shape_cast %get3A_31 : vector<16xi32> to vector<16xi32>
      %eq3A_33 = arith.constant 0 : i32
      %eq3A_34 = vector.broadcast %eq3A_33 : i32 to vector<16xi32>
      %eq3A_35 = arith.cmpi eq, %get3A_29, %eq3A_34 : vector<16xi32>
      %add3A_36 = arith.constant 2 : i32
      %add3A_37 = vector.broadcast %add3A_36 : i32 to vector<16xi32>
      %add3A_38 = arith.addi %get3A_32, %add3A_37 : vector<16xi32>
      %select_n3A_39 = arith.select %eq3A_35, %add3A_38, %get3A_32 : vector<16xi1>, vector<16xi32>
      %swap3A_40 = arith.constant 16 : index
      %swap3A_41 = tpu.vector_load %arg10[%swap3A_40] {strides = array<i32>} : memref<128xi32, #tpu.memory_space<vmem>>, vector<16xi32>,
      %swap3A_42 = vector.shape_cast %swap3A_41 : vector<16xi32> to vector<16xi32>
      %swap3A_43 = vector.shape_cast %select_n3A_39 : vector<16xi32> to vector<16xi32>
      tpu.vector_store %arg10[%swap3A_40], %swap3A_43 {strides = array<i32>} : memref<128xi32, #tpu.memory_space<vmem>>, vector<16xi32>,
      %get3A_44 = arith.constant 32 : index
      %get3A_45 = tpu.vector_load %arg8[%get3A_44] {strides = array<i32>} : memref<128xi32, #tpu.memory_space<vmem>>, vector<16xi32>,
      %get3A_46 = vector.shape_cast %get3A_45 : vector<16xi32> to vector<16xi32>
      %get3A_47 = arith.constant 32 : index
      %get3A_48 = tpu.vector_load %arg9[%get3A_47] {strides = array<i32>} : memref<128xi32, #tpu.memory_space<vmem>>, vector<16xi32>,
      %get3A_49 = vector.shape_cast %get3A_48 : vector<16xi32> to vector<16xi32>
      %eq3A_50 = arith.constant 0 : i32
      %eq3A_51 = vector.broadcast %eq3A_50 : i32 to vector<16xi32>
      %eq3A_52 = arith.cmpi eq, %get3A_46, %eq3A_51 : vector<16xi32>
      %add3A_53 = arith.constant 2 : i32
      %add3A_54 = vector.broadcast %add3A_53 : i32 to vector<16xi32>
      %add3A_55 = arith.addi %get3A_49, %add3A_54 : vector<16xi32>
      %select_n3A_56 = arith.select %eq3A_52, %add3A_55, %get3A_49 : vector<16xi1>, vector<16xi32>
      %swap3A_57 = arith.constant 32 : index
      %swap3A_58 = tpu.vector_load %arg10[%swap3A_57] {strides = array<i32>} : memref<128xi32, #tpu.memory_space<vmem>>, vector<16xi32>,
      %swap3A_59 = vector.shape_cast %swap3A_58 : vector<16xi32> to vector<16xi32>
      %swap3A_60 = vector.shape_cast %select_n3A_56 : vector<16xi32> to vector<16xi32>
      tpu.vector_store %arg10[%swap3A_57], %swap3A_60 {strides = array<i32>} : memref<128xi32, #tpu.memory_space<vmem>>, vector<16xi32>,
      %get3A_61 = arith.constant 48 : index
      %get3A_62 = tpu.vector_load %arg8[%get3A_61] {strides = array<i32>} : memref<128xi32, #tpu.memory_space<vmem>>, vector<16xi32>,
      %get3A_63 = vector.shape_cast %get3A_62 : vector<16xi32> to vector<16xi32>
      %get3A_64 = arith.constant 48 : index
      %get3A_65 = tpu.vector_load %arg9[%get3A_64] {strides = array<i32>} : memref<128xi32, #tpu.memory_space<vmem>>, vector<16xi32>,
      %get3A_66 = vector.shape_cast %get3A_65 : vector<16xi32> to vector<16xi32>
      %eq3A_67 = arith.constant 0 : i32
      %eq3A_68 = vector.broadcast %eq3A_67 : i32 to vector<16xi32>
      %eq3A_69 = arith.cmpi eq, %get3A_63, %eq3A_68 : vector<16xi32>
      %add3A_70 = arith.constant 2 : i32
      %add3A_71 = vector.broadcast %add3A_70 : i32 to vector<16xi32>
      %add3A_72 = arith.addi %get3A_66, %add3A_71 : vector<16xi32>
      %select_n3A_73 = arith.select %eq3A_69, %add3A_72, %get3A_66 : vector<16xi1>, vector<16xi32>
      %swap3A_74 = arith.constant 48 : index
      %swap3A_75 = tpu.vector_load %arg10[%swap3A_74] {strides = array<i32>} : memref<128xi32, #tpu.memory_space<vmem>>, vector<16xi32>,
      %swap3A_76 = vector.shape_cast %swap3A_75 : vector<16xi32> to vector<16xi32>
      %swap3A_77 = vector.shape_cast %select_n3A_73 : vector<16xi32> to vector<16xi32>
      tpu.vector_store %arg10[%swap3A_74], %swap3A_77 {strides = array<i32>} : memref<128xi32, #tpu.memory_space<vmem>>, vector<16xi32>,
      %get3A_78 = arith.constant 64 : index
      %get3A_79 = tpu.vector_load %arg8[%get3A_78] {strides = array<i32>} : memref<128xi32, #tpu.memory_space<vmem>>, vector<16xi32>,
      %get3A_80 = vector.shape_cast %get3A_79 : vector<16xi32> to vector<16xi32>
      %get3A_81 = arith.constant 64 : index
      %get3A_82 = tpu.vector_load %arg9[%get3A_81] {strides = array<i32>} : memref<128xi32, #tpu.memory_space<vmem>>, vector<16xi32>,
      %get3A_83 = vector.shape_cast %get3A_82 : vector<16xi32> to vector<16xi32>
      %eq3A_84 = arith.constant 0 : i32
      %eq3A_85 = vector.broadcast %eq3A_84 : i32 to vector<16xi32>
      %eq3A_86 = arith.cmpi eq, %get3A_80, %eq3A_85 : vector<16xi32>
      %add3A_87 = arith.constant 2 : i32
      %add3A_88 = vector.broadcast %add3A_87 : i32 to vector<16xi32>
      %add3A_89 = arith.addi %get3A_83, %add3A_88 : vector<16xi32>
      %select_n3A_90 = arith.select %eq3A_86, %add3A_89, %get3A_83 : vector<16xi1>, vector<16xi32>
      %swap3A_91 = arith.constant 64 : index
      %swap3A_92 = tpu.vector_load %arg10[%swap3A_91] {strides = array<i32>} : memref<128xi32, #tpu.memory_space<vmem>>, vector<16xi32>,
      %swap3A_93 = vector.shape_cast %swap3A_92 : vector<16xi32> to vector<16xi32>
      %swap3A_94 = vector.shape_cast %select_n3A_90 : vector<16xi32> to vector<16xi32>
      tpu.vector_store %arg10[%swap3A_91], %swap3A_94 {strides = array<i32>} : memref<128xi32, #tpu.memory_space<vmem>>, vector<16xi32>,
      %get3A_95 = arith.constant 80 : index
      %get3A_96 = tpu.vector_load %arg8[%get3A_95] {strides = array<i32>} : memref<128xi32, #tpu.memory_space<vmem>>, vector<16xi32>,
      %get3A_97 = vector.shape_cast %get3A_96 : vector<16xi32> to vector<16xi32>
      %get3A_98 = arith.constant 80 : index
      %get3A_99 = tpu.vector_load %arg9[%get3A_98] {strides = array<i32>} : memref<128xi32, #tpu.memory_space<vmem>>, vector<16xi32>,
      %get3A_100 = vector.shape_cast %get3A_99 : vector<16xi32> to vector<16xi32>
      %eq3A_101 = arith.constant 0 : i32
      %eq3A_102 = vector.broadcast %eq3A_101 : i32 to vector<16xi32>
      %eq3A_103 = arith.cmpi eq, %get3A_97, %eq3A_102 : vector<16xi32>
      %add3A_104 = arith.constant 2 : i32
      %add3A_105 = vector.broadcast %add3A_104 : i32 to vector<16xi32>
      %add3A_106 = arith.addi %get3A_100, %add3A_105 : vector<16xi32>
      %select_n3A_107 = arith.select %eq3A_103, %add3A_106, %get3A_100 : vector<16xi1>, vector<16xi32>
      %swap3A_108 = arith.constant 80 : index
      %swap3A_109 = tpu.vector_load %arg10[%swap3A_108] {strides = array<i32>} : memref<128xi32, #tpu.memory_space<vmem>>, vector<16xi32>,
      %swap3A_110 = vector.shape_cast %swap3A_109 : vector<16xi32> to vector<16xi32>
      %swap3A_111 = vector.shape_cast %select_n3A_107 : vector<16xi32> to vector<16xi32>
      tpu.vector_store %arg10[%swap3A_108], %swap3A_111 {strides = array<i32>} : memref<128xi32, #tpu.memory_space<vmem>>, vector<16xi32>,
      %get3A_112 = arith.constant 96 : index
      %get3A_113 = tpu.vector_load %arg8[%get3A_112] {strides = array<i32>} : memref<128xi32, #tpu.memory_space<vmem>>, vector<16xi32>,
      %get3A_114 = vector.shape_cast %get3A_113 : vector<16xi32> to vector<16xi32>
      %get3A_115 = arith.constant 96 : index
      %get3A_116 = tpu.vector_load %arg9[%get3A_115] {strides = array<i32>} : memref<128xi32, #tpu.memory_space<vmem>>, vector<16xi32>,
      %get3A_117 = vector.shape_cast %get3A_116 : vector<16xi32> to vector<16xi32>
      %eq3A_118 = arith.constant 0 : i32
      %eq3A_119 = vector.broadcast %eq3A_118 : i32 to vector<16xi32>
      %eq3A_120 = arith.cmpi eq, %get3A_114, %eq3A_119 : vector<16xi32>
      %add3A_121 = arith.constant 2 : i32
      %add3A_122 = vector.broadcast %add3A_121 : i32 to vector<16xi32>
      %add3A_123 = arith.addi %get3A_117, %add3A_122 : vector<16xi32>
      %select_n3A_124 = arith.select %eq3A_120, %add3A_123, %get3A_117 : vector<16xi1>, vector<16xi32>
      %swap3A_125 = arith.constant 96 : index
      %swap3A_126 = tpu.vector_load %arg10[%swap3A_125] {strides = array<i32>} : memref<128xi32, #tpu.memory_space<vmem>>, vector<16xi32>,
      %swap3A_127 = vector.shape_cast %swap3A_126 : vector<16xi32> to vector<16xi32>
      %swap3A_128 = vector.shape_cast %select_n3A_124 : vector<16xi32> to vector<16xi32>
      tpu.vector_store %arg10[%swap3A_125], %swap3A_128 {strides = array<i32>} : memref<128xi32, #tpu.memory_space<vmem>>, vector<16xi32>,
      %get3A_129 = arith.constant 112 : index
      %get3A_130 = tpu.vector_load %arg8[%get3A_129] {strides = array<i32>} : memref<128xi32, #tpu.memory_space<vmem>>, vector<16xi32>,
      %get3A_131 = vector.shape_cast %get3A_130 : vector<16xi32> to vector<16xi32>
      %get3A_132 = arith.constant 112 : index
      %get3A_133 = tpu.vector_load %arg9[%get3A_132] {strides = array<i32>} : memref<128xi32, #tpu.memory_space<vmem>>, vector<16xi32>,
      %get3A_134 = vector.shape_cast %get3A_133 : vector<16xi32> to vector<16xi32>
      %eq3A_135 = arith.constant 0 : i32
      %eq3A_136 = vector.broadcast %eq3A_135 : i32 to vector<16xi32>
      %eq3A_137 = arith.cmpi eq, %get3A_131, %eq3A_136 : vector<16xi32>
      %add3A_138 = arith.constant 2 : i32
      %add3A_139 = vector.broadcast %add3A_138 : i32 to vector<16xi32>
      %add3A_140 = arith.addi %get3A_134, %add3A_139 : vector<16xi32>
      %select_n3A_141 = arith.select %eq3A_137, %add3A_140, %get3A_134 : vector<16xi1>, vector<16xi32>
      %swap3A_142 = arith.constant 112 : index
      %swap3A_143 = tpu.vector_load %arg10[%swap3A_142] {strides = array<i32>} : memref<128xi32, #tpu.memory_space<vmem>>, vector<16xi32>,
      %swap3A_144 = vector.shape_cast %swap3A_143 : vector<16xi32> to vector<16xi32>
      %swap3A_145 = vector.shape_cast %select_n3A_141 : vector<16xi32> to vector<16xi32>
      tpu.vector_store %arg10[%swap3A_142], %swap3A_145 {strides = array<i32>} : memref<128xi32, #tpu.memory_space<vmem>>, vector<16xi32>,
      %dma_wait3A = arith.constant 0 : i32
      %dma_wait3A_146 = arith.constant 0 : i32
      %dma_wait3A_147 = tpu.memref_slice %arg4[%dma_wait3A, %dma_wait3A_146] : memref<100000x128xf32, #tpu.memory_space<hbm>> -> memref<100000x128xf32, #tpu.memory_space<hbm>>
      tpu.wait_indirect_dma semaphore(%arg14 : memref<!tpu.dma_semaphore, #tpu.memory_space<semaphore_mem>>) src(%dma_wait3A_147 : memref<100000x128xf32, #tpu.memory_space<hbm>>) dst(%arg11 : memref<128x128xf32, #tpu.memory_space<vmem>>)
      %dma_start3A_148 = arith.constant 0 : i32
      %dma_start3A_149 = arith.constant 0 : i32
      %dma_start3A_150 = tpu.memref_slice %arg5[%dma_start3A_148, %dma_start3A_149] : memref<4x128xf32, #tpu.memory_space<hbm>> -> memref<4x128xf32, #tpu.memory_space<hbm>>
      tpu.enqueue_indirect_dma source(%dma_start3A_150 : memref<4x128xf32, #tpu.memory_space<hbm>>) target(%arg12 : memref<128x128xf32, #tpu.memory_space<vmem>>) offsets(%arg10 : memref<128xi32, #tpu.memory_space<vmem>>) semaphore(%arg14 : memref<!tpu.dma_semaphore, #tpu.memory_space<semaphore_mem>>)
      %dma_wait3A_151 = arith.constant 0 : i32
      %dma_wait3A_152 = arith.constant 0 : i32
      %dma_wait3A_153 = tpu.memref_slice %arg5[%dma_wait3A_151, %dma_wait3A_152] : memref<4x128xf32, #tpu.memory_space<hbm>> -> memref<4x128xf32, #tpu.memory_space<hbm>>
      tpu.wait_indirect_dma semaphore(%arg14 : memref<!tpu.dma_semaphore, #tpu.memory_space<semaphore_mem>>) src(%dma_wait3A_153 : memref<4x128xf32, #tpu.memory_space<hbm>>) dst(%arg12 : memref<128x128xf32, #tpu.memory_space<vmem>>)
      %mul3A_154 = arith.constant 128 : i32
      %mul3A_155 = arith.muli %scan3A_8, %mul3A_154 : i32
      %rem3A = arith.constant 200 : i32
      %rem3A_156 = arith.remsi %mul3A_155, %rem3A : i32
      %scan3A_157 = arith.constant 0 : i32
      %scan3A_158 = arith.constant 0 : i32
      %scan3A_159 = arith.constant 128 : i32
      %scan3A_160 = arith.addi %scan3A_158, %scan3A_159 : i32
      %scan3A_161 = arith.constant 1 : i32
      scf.for %scan3A_163 = %scan3A_158 to %scan3A_160 step %scan3A_161  : i32 {
        %add3A_164 = arith.addi %rem3A_156, %scan3A_163 : i32
        %get3A_165 = arith.index_cast %scan3A_163 : i32 to index
        %get3A_166 = arith.constant 0 : index
        %get3A_167 = tpu.vector_load %arg11[%get3A_165, %get3A_166] {strides = array<i32>} : memref<128x128xf32, #tpu.memory_space<vmem>>, vector<1x16xf32>,
        %get3A_168 = vector.shape_cast %get3A_167 : vector<1x16xf32> to vector<16xf32>
        %get3A_169 = arith.index_cast %scan3A_163 : i32 to index
        %get3A_170 = arith.constant 0 : index
        %get3A_171 = tpu.vector_load %arg12[%get3A_169, %get3A_170] {strides = array<i32>} : memref<128x128xf32, #tpu.memory_space<vmem>>, vector<1x16xf32>,
        %get3A_172 = vector.shape_cast %get3A_171 : vector<1x16xf32> to vector<16xf32>
        %add3A_173 = arith.addf %get3A_168, %get3A_172 : vector<16xf32>
        %get3A_174 = arith.index_cast %add3A_164 : i32 to index
        %get3A_175 = arith.constant 0 : index
        %get3A_176 = tpu.vector_load %arg13[%get3A_174, %get3A_175] {strides = array<i32>} : memref<400x128xf32, #tpu.memory_space<vmem>>, vector<1x16xf32>,
        %get3A_177 = vector.shape_cast %get3A_176 : vector<1x16xf32> to vector<16xf32>
        %add3A_178 = arith.addf %add3A_173, %get3A_177 : vector<16xf32>
        %swap3A_179 = arith.index_cast %scan3A_163 : i32 to index
        %swap3A_180 = arith.constant 0 : index
        %swap3A_181 = tpu.vector_load %arg11[%swap3A_179, %swap3A_180] {strides = array<i32>} : memref<128x128xf32, #tpu.memory_space<vmem>>, vector<1x16xf32>,
        %swap3A_182 = vector.shape_cast %swap3A_181 : vector<1x16xf32> to vector<16xf32>
        %swap3A_183 = vector.shape_cast %add3A_178 : vector<16xf32> to vector<1x16xf32>
        tpu.vector_store %arg11[%swap3A_179, %swap3A_180], %swap3A_183 {strides = array<i32>} : memref<128x128xf32, #tpu.memory_space<vmem>>, vector<1x16xf32>,
        %get3A_184 = arith.index_cast %scan3A_163 : i32 to index
        %get3A_185 = arith.constant 16 : index
        %get3A_186 = tpu.vector_load %arg11[%get3A_184, %get3A_185] {strides = array<i32>} : memref<128x128xf32, #tpu.memory_space<vmem>>, vector<1x16xf32>,
        %get3A_187 = vector.shape_cast %get3A_186 : vector<1x16xf32> to vector<16xf32>
        %get3A_188 = arith.index_cast %scan3A_163 : i32 to index
        %get3A_189 = arith.constant 16 : index
        %get3A_190 = tpu.vector_load %arg12[%get3A_188, %get3A_189] {strides = array<i32>} : memref<128x128xf32, #tpu.memory_space<vmem>>, vector<1x16xf32>,
        %get3A_191 = vector.shape_cast %get3A_190 : vector<1x16xf32> to vector<16xf32>
        %add3A_192 = arith.addf %get3A_187, %get3A_191 : vector<16xf32>
        %get3A_193 = arith.index_cast %add3A_164 : i32 to index
        %get3A_194 = arith.constant 16 : index
        %get3A_195 = tpu.vector_load %arg13[%get3A_193, %get3A_194] {strides = array<i32>} : memref<400x128xf32, #tpu.memory_space<vmem>>, vector<1x16xf32>,
        %get3A_196 = vector.shape_cast %get3A_195 : vector<1x16xf32> to vector<16xf32>
        %add3A_197 = arith.addf %add3A_192, %get3A_196 : vector<16xf32>
        %swap3A_198 = arith.index_cast %scan3A_163 : i32 to index
        %swap3A_199 = arith.constant 16 : index
        %swap3A_200 = tpu.vector_load %arg11[%swap3A_198, %swap3A_199] {strides = array<i32>} : memref<128x128xf32, #tpu.memory_space<vmem>>, vector<1x16xf32>,
        %swap3A_201 = vector.shape_cast %swap3A_200 : vector<1x16xf32> to vector<16xf32>
        %swap3A_202 = vector.shape_cast %add3A_197 : vector<16xf32> to vector<1x16xf32>
        tpu.vector_store %arg11[%swap3A_198, %swap3A_199], %swap3A_202 {strides = array<i32>} : memref<128x128xf32, #tpu.memory_space<vmem>>, vector<1x16xf32>,
        %get3A_203 = arith.index_cast %scan3A_163 : i32 to index
        %get3A_204 = arith.constant 32 : index
        %get3A_205 = tpu.vector_load %arg11[%get3A_203, %get3A_204] {strides = array<i32>} : memref<128x128xf32, #tpu.memory_space<vmem>>, vector<1x16xf32>,
        %get3A_206 = vector.shape_cast %get3A_205 : vector<1x16xf32> to vector<16xf32>
        %get3A_207 = arith.index_cast %scan3A_163 : i32 to index
        %get3A_208 = arith.constant 32 : index
        %get3A_209 = tpu.vector_load %arg12[%get3A_207, %get3A_208] {strides = array<i32>} : memref<128x128xf32, #tpu.memory_space<vmem>>, vector<1x16xf32>,
        %get3A_210 = vector.shape_cast %get3A_209 : vector<1x16xf32> to vector<16xf32>
        %add3A_211 = arith.addf %get3A_206, %get3A_210 : vector<16xf32>
        %get3A_212 = arith.index_cast %add3A_164 : i32 to index
        %get3A_213 = arith.constant 32 : index
        %get3A_214 = tpu.vector_load %arg13[%get3A_212, %get3A_213] {strides = array<i32>} : memref<400x128xf32, #tpu.memory_space<vmem>>, vector<1x16xf32>,
        %get3A_215 = vector.shape_cast %get3A_214 : vector<1x16xf32> to vector<16xf32>
        %add3A_216 = arith.addf %add3A_211, %get3A_215 : vector<16xf32>
        %swap3A_217 = arith.index_cast %scan3A_163 : i32 to index
        %swap3A_218 = arith.constant 32 : index
        %swap3A_219 = tpu.vector_load %arg11[%swap3A_217, %swap3A_218] {strides = array<i32>} : memref<128x128xf32, #tpu.memory_space<vmem>>, vector<1x16xf32>,
        %swap3A_220 = vector.shape_cast %swap3A_219 : vector<1x16xf32> to vector<16xf32>
        %swap3A_221 = vector.shape_cast %add3A_216 : vector<16xf32> to vector<1x16xf32>
        tpu.vector_store %arg11[%swap3A_217, %swap3A_218], %swap3A_221 {strides = array<i32>} : memref<128x128xf32, #tpu.memory_space<vmem>>, vector<1x16xf32>,
        %get3A_222 = arith.index_cast %scan3A_163 : i32 to index
        %get3A_223 = arith.constant 48 : index
        %get3A_224 = tpu.vector_load %arg11[%get3A_222, %get3A_223] {strides = array<i32>} : memref<128x128xf32, #tpu.memory_space<vmem>>, vector<1x16xf32>,
        %get3A_225 = vector.shape_cast %get3A_224 : vector<1x16xf32> to vector<16xf32>
        %get3A_226 = arith.index_cast %scan3A_163 : i32 to index
        %get3A_227 = arith.constant 48 : index
        %get3A_228 = tpu.vector_load %arg12[%get3A_226, %get3A_227] {strides = array<i32>} : memref<128x128xf32, #tpu.memory_space<vmem>>, vector<1x16xf32>,
        %get3A_229 = vector.shape_cast %get3A_228 : vector<1x16xf32> to vector<16xf32>
        %add3A_230 = arith.addf %get3A_225, %get3A_229 : vector<16xf32>
        %get3A_231 = arith.index_cast %add3A_164 : i32 to index
        %get3A_232 = arith.constant 48 : index
        %get3A_233 = tpu.vector_load %arg13[%get3A_231, %get3A_232] {strides = array<i32>} : memref<400x128xf32, #tpu.memory_space<vmem>>, vector<1x16xf32>,
        %get3A_234 = vector.shape_cast %get3A_233 : vector<1x16xf32> to vector<16xf32>
        %add3A_235 = arith.addf %add3A_230, %get3A_234 : vector<16xf32>
        %swap3A_236 = arith.index_cast %scan3A_163 : i32 to index
        %swap3A_237 = arith.constant 48 : index
        %swap3A_238 = tpu.vector_load %arg11[%swap3A_236, %swap3A_237] {strides = array<i32>} : memref<128x128xf32, #tpu.memory_space<vmem>>, vector<1x16xf32>,
        %swap3A_239 = vector.shape_cast %swap3A_238 : vector<1x16xf32> to vector<16xf32>
        %swap3A_240 = vector.shape_cast %add3A_235 : vector<16xf32> to vector<1x16xf32>
        tpu.vector_store %arg11[%swap3A_236, %swap3A_237], %swap3A_240 {strides = array<i32>} : memref<128x128xf32, #tpu.memory_space<vmem>>, vector<1x16xf32>,
        %get3A_241 = arith.index_cast %scan3A_163 : i32 to index
        %get3A_242 = arith.constant 64 : index
        %get3A_243 = tpu.vector_load %arg11[%get3A_241, %get3A_242] {strides = array<i32>} : memref<128x128xf32, #tpu.memory_space<vmem>>, vector<1x16xf32>,
        %get3A_244 = vector.shape_cast %get3A_243 : vector<1x16xf32> to vector<16xf32>
        %get3A_245 = arith.index_cast %scan3A_163 : i32 to index
        %get3A_246 = arith.constant 64 : index
        %get3A_247 = tpu.vector_load %arg12[%get3A_245, %get3A_246] {strides = array<i32>} : memref<128x128xf32, #tpu.memory_space<vmem>>, vector<1x16xf32>,
        %get3A_248 = vector.shape_cast %get3A_247 : vector<1x16xf32> to vector<16xf32>
        %add3A_249 = arith.addf %get3A_244, %get3A_248 : vector<16xf32>
        %get3A_250 = arith.index_cast %add3A_164 : i32 to index
        %get3A_251 = arith.constant 64 : index
        %get3A_252 = tpu.vector_load %arg13[%get3A_250, %get3A_251] {strides = array<i32>} : memref<400x128xf32, #tpu.memory_space<vmem>>, vector<1x16xf32>,
        %get3A_253 = vector.shape_cast %get3A_252 : vector<1x16xf32> to vector<16xf32>
        %add3A_254 = arith.addf %add3A_249, %get3A_253 : vector<16xf32>
        %swap3A_255 = arith.index_cast %scan3A_163 : i32 to index
        %swap3A_256 = arith.constant 64 : index
        %swap3A_257 = tpu.vector_load %arg11[%swap3A_255, %swap3A_256] {strides = array<i32>} : memref<128x128xf32, #tpu.memory_space<vmem>>, vector<1x16xf32>,
        %swap3A_258 = vector.shape_cast %swap3A_257 : vector<1x16xf32> to vector<16xf32>
        %swap3A_259 = vector.shape_cast %add3A_254 : vector<16xf32> to vector<1x16xf32>
        tpu.vector_store %arg11[%swap3A_255, %swap3A_256], %swap3A_259 {strides = array<i32>} : memref<128x128xf32, #tpu.memory_space<vmem>>, vector<1x16xf32>,
        %get3A_260 = arith.index_cast %scan3A_163 : i32 to index
        %get3A_261 = arith.constant 80 : index
        %get3A_262 = tpu.vector_load %arg11[%get3A_260, %get3A_261] {strides = array<i32>} : memref<128x128xf32, #tpu.memory_space<vmem>>, vector<1x16xf32>,
        %get3A_263 = vector.shape_cast %get3A_262 : vector<1x16xf32> to vector<16xf32>
        %get3A_264 = arith.index_cast %scan3A_163 : i32 to index
        %get3A_265 = arith.constant 80 : index
        %get3A_266 = tpu.vector_load %arg12[%get3A_264, %get3A_265] {strides = array<i32>} : memref<128x128xf32, #tpu.memory_space<vmem>>, vector<1x16xf32>,
        %get3A_267 = vector.shape_cast %get3A_266 : vector<1x16xf32> to vector<16xf32>
        %add3A_268 = arith.addf %get3A_263, %get3A_267 : vector<16xf32>
        %get3A_269 = arith.index_cast %add3A_164 : i32 to index
        %get3A_270 = arith.constant 80 : index
        %get3A_271 = tpu.vector_load %arg13[%get3A_269, %get3A_270] {strides = array<i32>} : memref<400x128xf32, #tpu.memory_space<vmem>>, vector<1x16xf32>,
        %get3A_272 = vector.shape_cast %get3A_271 : vector<1x16xf32> to vector<16xf32>
        %add3A_273 = arith.addf %add3A_268, %get3A_272 : vector<16xf32>
        %swap3A_274 = arith.index_cast %scan3A_163 : i32 to index
        %swap3A_275 = arith.constant 80 : index
        %swap3A_276 = tpu.vector_load %arg11[%swap3A_274, %swap3A_275] {strides = array<i32>} : memref<128x128xf32, #tpu.memory_space<vmem>>, vector<1x16xf32>,
        %swap3A_277 = vector.shape_cast %swap3A_276 : vector<1x16xf32> to vector<16xf32>
        %swap3A_278 = vector.shape_cast %add3A_273 : vector<16xf32> to vector<1x16xf32>
        tpu.vector_store %arg11[%swap3A_274, %swap3A_275], %swap3A_278 {strides = array<i32>} : memref<128x128xf32, #tpu.memory_space<vmem>>, vector<1x16xf32>,
        %get3A_279 = arith.index_cast %scan3A_163 : i32 to index
        %get3A_280 = arith.constant 96 : index
        %get3A_281 = tpu.vector_load %arg11[%get3A_279, %get3A_280] {strides = array<i32>} : memref<128x128xf32, #tpu.memory_space<vmem>>, vector<1x16xf32>,
        %get3A_282 = vector.shape_cast %get3A_281 : vector<1x16xf32> to vector<16xf32>
        %get3A_283 = arith.index_cast %scan3A_163 : i32 to index
        %get3A_284 = arith.constant 96 : index
        %get3A_285 = tpu.vector_load %arg12[%get3A_283, %get3A_284] {strides = array<i32>} : memref<128x128xf32, #tpu.memory_space<vmem>>, vector<1x16xf32>,
        %get3A_286 = vector.shape_cast %get3A_285 : vector<1x16xf32> to vector<16xf32>
        %add3A_287 = arith.addf %get3A_282, %get3A_286 : vector<16xf32>
        %get3A_288 = arith.index_cast %add3A_164 : i32 to index
        %get3A_289 = arith.constant 96 : index
        %get3A_290 = tpu.vector_load %arg13[%get3A_288, %get3A_289] {strides = array<i32>} : memref<400x128xf32, #tpu.memory_space<vmem>>, vector<1x16xf32>,
        %get3A_291 = vector.shape_cast %get3A_290 : vector<1x16xf32> to vector<16xf32>
        %add3A_292 = arith.addf %add3A_287, %get3A_291 : vector<16xf32>
        %swap3A_293 = arith.index_cast %scan3A_163 : i32 to index
        %swap3A_294 = arith.constant 96 : index
        %swap3A_295 = tpu.vector_load %arg11[%swap3A_293, %swap3A_294] {strides = array<i32>} : memref<128x128xf32, #tpu.memory_space<vmem>>, vector<1x16xf32>,
        %swap3A_296 = vector.shape_cast %swap3A_295 : vector<1x16xf32> to vector<16xf32>
        %swap3A_297 = vector.shape_cast %add3A_292 : vector<16xf32> to vector<1x16xf32>
        tpu.vector_store %arg11[%swap3A_293, %swap3A_294], %swap3A_297 {strides = array<i32>} : memref<128x128xf32, #tpu.memory_space<vmem>>, vector<1x16xf32>,
        %get3A_298 = arith.index_cast %scan3A_163 : i32 to index
        %get3A_299 = arith.constant 112 : index
        %get3A_300 = tpu.vector_load %arg11[%get3A_298, %get3A_299] {strides = array<i32>} : memref<128x128xf32, #tpu.memory_space<vmem>>, vector<1x16xf32>,
        %get3A_301 = vector.shape_cast %get3A_300 : vector<1x16xf32> to vector<16xf32>
        %get3A_302 = arith.index_cast %scan3A_163 : i32 to index
        %get3A_303 = arith.constant 112 : index
        %get3A_304 = tpu.vector_load %arg12[%get3A_302, %get3A_303] {strides = array<i32>} : memref<128x128xf32, #tpu.memory_space<vmem>>, vector<1x16xf32>,
        %get3A_305 = vector.shape_cast %get3A_304 : vector<1x16xf32> to vector<16xf32>
        %add3A_306 = arith.addf %get3A_301, %get3A_305 : vector<16xf32>
        %get3A_307 = arith.index_cast %add3A_164 : i32 to index
        %get3A_308 = arith.constant 112 : index
        %get3A_309 = tpu.vector_load %arg13[%get3A_307, %get3A_308] {strides = array<i32>} : memref<400x128xf32, #tpu.memory_space<vmem>>, vector<1x16xf32>,
        %get3A_310 = vector.shape_cast %get3A_309 : vector<1x16xf32> to vector<16xf32>
        %add3A_311 = arith.addf %add3A_306, %get3A_310 : vector<16xf32>
        %swap3A_312 = arith.index_cast %scan3A_163 : i32 to index
        %swap3A_313 = arith.constant 112 : index
        %swap3A_314 = tpu.vector_load %arg11[%swap3A_312, %swap3A_313] {strides = array<i32>} : memref<128x128xf32, #tpu.memory_space<vmem>>, vector<1x16xf32>,
        %swap3A_315 = vector.shape_cast %swap3A_314 : vector<1x16xf32> to vector<16xf32>
        %swap3A_316 = vector.shape_cast %add3A_311 : vector<16xf32> to vector<1x16xf32>
        tpu.vector_store %arg11[%swap3A_312, %swap3A_313], %swap3A_316 {strides = array<i32>} : memref<128x128xf32, #tpu.memory_space<vmem>>, vector<1x16xf32>,
      }
      %scan3A_162 = arith.constant 128 : i32
      "tpu.region"() ({
        %run_scoped3A = tpu.sem_alloc : memref<!tpu.dma_semaphore, #tpu.memory_space<semaphore_mem>>
        %dma_start3A_163 = arith.constant 0 : i32
        %dma_start3A_164 = tpu.memref_slice %arg7[%add3A_11, %dma_start3A_163] : memref<204800x128xf32, #tpu.memory_space<hbm>> -> memref<128x128xf32, #tpu.memory_space<hbm>>
        %dma_start3A_165 = arith.constant 0 : i32
        %dma_start3A_166 = tpu.memref_slice %arg7[%add3A_11, %dma_start3A_165] : memref<204800x128xf32, #tpu.memory_space<hbm>> -> memref<128x128xf32, #tpu.memory_space<hbm>>
        tpu.enqueue_dma source(%arg11 : memref<128x128xf32, #tpu.memory_space<vmem>>) target(%dma_start3A_166 : memref<128x128xf32, #tpu.memory_space<hbm>>) target_semaphore(%run_scoped3A : memref<!tpu.dma_semaphore, #tpu.memory_space<semaphore_mem>>)
        %dma_wait3A_167 = arith.constant 0 : i32
        %dma_wait3A_168 = tpu.memref_slice %arg7[%add3A_11, %dma_wait3A_167] : memref<204800x128xf32, #tpu.memory_space<hbm>> -> memref<128x128xf32, #tpu.memory_space<hbm>>
        %dma_wait3A_169 = arith.constant 0 : i32
        %dma_wait3A_170 = tpu.memref_slice %arg7[%add3A_11, %dma_wait3A_169] : memref<204800x128xf32, #tpu.memory_space<hbm>> -> memref<128x128xf32, #tpu.memory_space<hbm>>
        tpu.wait_dma2 semaphore(%run_scoped3A : memref<!tpu.dma_semaphore, #tpu.memory_space<semaphore_mem>>) src(%arg11 : memref<128x128xf32, #tpu.memory_space<vmem>>) dst(%dma_wait3A_170 : memref<128x128xf32, #tpu.memory_space<hbm>>)
        tpu.yield
      }) : () -> ()
    }
    %scan3A_7 = arith.constant 50 : i32
    return
  }
}

</mosaic_0001>

<sc_bundles>
// kernel: kernel.3.cloned.1.call-start
scs
__scs_entry_jumppad:
0x0: {  	(pc) =	sbr.rel $0x88, $3  }
0x1: {  	(tag) =	ssettag $0x0;
	lr =	simm.s32 $0x1  }
0x2: {  	[smem:$0x3F9C] =	sst lr;
	_ =	strace $0xD0000000  }
0x3: {  	_ = 	snop  }
0x4: {  	_ = 	snop  }
0x5: {  	_ = 	snop  }
0x6: {  	_ = 	snop  }
0x7: {  	_ = 	snop  }
__scs_overlays_trampoline_lowered:
0x8: {  	[smem:$0x3FAB] =	sst s0  }
0x9: {  	[smem:$0x3FAC] =	sst s1  }
0xa: {  	[smem:$0x3FAD] =	sst s2  }
0xb: {  	[smem:$0x3FAE] =	sst s3  }
0xc: {  	[smem:$0x3FAF] =	sst s4  }
0xd: {  	[smem:$0x3FB0] =	sst s5  }
0xe: {  	[smem:$0x3FB1] =	sst s6  }
0xf: {  	[smem:$0x3FB2] =	sst s7  }
0x10: {  	[smem:$0x3FB3] =	sst s8  }
0x11: {  	[smem:$0x3FB4] =	sst s9;
	s0 =	simm.s32 @!p0 $0x0  }
0x12: {  	s1 =	sld [smem:$0x3F9A];
	s0 =	simm.s32 @p0 $0x1  }
0x13: {  	[smem:$0x3FB5] =	sst s0;
	s0 =	simm.s32 @!p1 $0x0  }
0x14: {  	s2 =	sld [smem:$0x3F99];
	s0 =	simm.s32 @p1 $0x1  }
0x15: {  	[smem:$0x3FB6] =	sst s0;
	s0 =	simm.s32 @!p2 $0x0  }
0x16: {  	s3 =	sld [smem:$0x3FDB];
	s0 =	simm.s32 @p2 $0x1  }
0x17: {  	s4 =	simm.s32 $0x1BF5;
	[smem:$0x3FB8] =	sst s0  }
0x18: {  	s0 =	sld [smem:$0x3F9B];
	_ =	swait.ge [sflag:s4], $0x0  }
0x19: {  	s7 =	sld [smem:$0x3F9C]  }
0x1a: {  	s8 =	sadd.s32 $0xFFFFE003, lr  }
0x1b: {  	s9 =	sadd.s32 $0xFFFFFEF7, lr;
	s5 =	simm.s32 $0xFFFFFFFF;
	p2 =	slt.u32 s8, $0xFFFFF086  }
0x1c: {  	p1 =	slt.u32 s9, $0xF7A;
	s5 =	simm.s32 @!p2 $0x0  }
0x1d: {  	s5 =	simm.s32 @p1 $0x1;
	p0 =	seq.s32 s7, s2  }
0x1e: {  	s7 =	smul.u32 @!p0 $0xF7A, s2;
	p2 =	seq.s32 @!p0 s5, $0x0  }
0x1f: {  	s9 =	smul.u32 $0xF7A, s1;
	s8 =	simm.s32 @!p0 $0x1BF5;
	p2 =	por !p2, p0  }
0x20: {  	[sflag:s8] =	ssyncset.s32 @!p0 $0xFFFFF086;
	s6 =	sadd.s32 @!p0 s3, s7;
	s7 =	simm.s32 @!p0 $0x108  }
0x21: {  	s3 =	sadd.s32 s3, s9;
	s6 =	sadd.s32 @!p0 $0x88, s6;
	s7 =	simm.s32 @p2 $0x1082  }
0x22: {  	[simem:s7], [sflag:s8] =	dma.local @!p0 [hbm:s6], $0xF7A  }
0x23: {  	s9 =	sor.u32 $0xD0000000, s2;
	s6 =	simm.s32 $0x108;
	_ =	swait.ge @!p0 [sflag:s8], $0x0  }
0x24: {  	s3 =	sadd.s32 $0x88, s3;
	s6 =	simm.s32 @!p1 $0x1082;
	[sflag:s4] =	ssyncset.s32 $0xFFFFF086  }
0x25: {  	[simem:s6], [sflag:s4] =	dma.local [hbm:s3], $0xF7A  }
0x26: {  	[smem:$0x3F9C] =	sst s1;
	(tag) =	ssettag s2;
	_ =	strace s9  }
0x27: {  	s1 =	sld [smem:$0x3FAC]  }
0x28: {  	s2 =	sld [smem:$0x3FAD]  }
0x29: {  	s4 =	sld [smem:$0x3FAF]  }
0x2a: {  	p0 =	seq.s32 s5, $0x0;
	s5 =	sld [smem:$0x3FB0]  }
0x2b: {  	s6 =	sld [smem:$0x3FB1]  }
0x2c: {  	s7 =	sld [smem:$0x3FB2]  }
0x2d: {  	s3 =	simm.s32 $0x108;
	s8 =	sld [smem:$0x3FB3]  }
0x2e: {  	s3 =	simm.s32 @!p0 $0x1082;
	s9 =	sld [smem:$0x3FB4]  }
0x2f: {  	lr =	sadd.s32 s0, s3;
	s0 =	sld [smem:$0x3FAB]  }
0x30: {  	s3 =	sld [smem:$0x3FAE]  }
0x31: {  	[smem:$0x3FB7] =	sst s10  }
0x32: {  	s10 =	sld [smem:$0x3FB5];
	_ =	sdelay $0x3  }
0x33: {  	p0 =	seq.s32 s10, $0x1;
	s10 =	sld [smem:$0x3FB7];
	_ =	sdelay $0x3  }
0x34: {  	[smem:$0x3FB7] =	sst s10  }
0x35: {  	s10 =	sld [smem:$0x3FB6];
	_ =	sdelay $0x3  }
0x36: {  	p1 =	seq.s32 s10, $0x1;
	s10 =	sld [smem:$0x3FB7];
	_ =	sdelay $0x3  }
0x37: {  	[smem:$0x3FB7] =	sst s10  }
0x38: {  	s10 =	sld [smem:$0x3FB8]  }
0x39: {  	_ = 	snop;
	(pc) =	sbr.ind lr, $3  }
0x3a: {  	_ = 	snop  }
0x3b: {  	_ = 	snop  }
0x3c: {  	p2 =	seq.s32 s10, $0x1;
	s10 =	sld [smem:$0x3FB7]  }
0x3d: {  	_ =	shalt  }
0x3e: {  	_ =	shalt  }
0x3f: {  	_ =	shalt  }
0x40: {  	_ =	shalt  }
0x41: {  	_ =	shalt  }
0x42: {  	_ =	shalt  }
0x43: {  	_ =	shalt  }
0x44: {  	_ =	shalt  }
0x45: {  	_ =	shalt  }
0x46: {  	_ =	shalt  }
0x47: {  	_ =	shalt  }
0x48: {  	_ =	shalt  }
0x49: {  	_ =	shalt  }
0x4a: {  	_ =	shalt  }
0x4b: {  	_ =	shalt  }
0x4c: {  	_ =	shalt  }
0x4d: {  	_ =	shalt  }
0x4e: {  	_ =	shalt  }
0x4f: {  	_ =	shalt  }
0x50: {  	_ =	shalt  }
0x51: {  	_ =	shalt  }
0x52: {  	_ =	shalt  }
0x53: {  	_ =	shalt  }
0x54: {  	_ =	shalt  }
0x55: {  	_ =	shalt  }
0x56: {  	_ =	shalt  }
0x57: {  	_ =	shalt  }
0x58: {  	_ =	shalt  }
0x59: {  	_ =	shalt  }
0x5a: {  	_ =	shalt  }
0x5b: {  	_ =	shalt  }
0x5c: {  	_ =	shalt  }
0x5d: {  	_ =	shalt  }
0x5e: {  	_ =	shalt  }
0x5f: {  	_ =	shalt  }
0x60: {  	_ =	shalt  }
0x61: {  	_ =	shalt  }
0x62: {  	_ =	shalt  }
0x63: {  	_ =	shalt  }
0x64: {  	_ =	shalt  }
0x65: {  	_ =	shalt  }
0x66: {  	_ =	shalt  }
0x67: {  	_ =	shalt  }
0x68: {  	_ =	shalt  }
0x69: {  	_ =	shalt  }
0x6a: {  	_ =	shalt  }
0x6b: {  	_ =	shalt  }
0x6c: {  	_ =	shalt  }
0x6d: {  	_ =	shalt  }
0x6e: {  	_ =	shalt  }
0x6f: {  	_ =	shalt  }
0x70: {  	_ =	shalt  }
0x71: {  	_ =	shalt  }
0x72: {  	_ =	shalt  }
0x73: {  	_ =	shalt  }
0x74: {  	_ =	shalt  }
0x75: {  	_ =	shalt  }
0x76: {  	_ =	shalt  }
0x77: {  	_ =	shalt  }
0x78: {  	_ =	shalt  }
0x79: {  	_ =	shalt  }
0x7a: {  	_ =	shalt  }
0x7b: {  	_ =	shalt  }
0x7c: {  	_ =	shalt  }
0x7d: {  	_ =	shalt  }
0x7e: {  	_ =	shalt  }
0x7f: {  	_ =	shalt  }
0x80: {  	_ =	shalt  }
0x81: {  	_ =	shalt  }
0x82: {  	_ =	shalt  }
0x83: {  	_ =	shalt  }
0x84: {  	_ =	shalt  }
0x85: {  	_ =	shalt  }
0x86: {  	_ =	shalt  }
0x87: {  	_ =	shalt  }
.Lfunc_end0:
.L_simem_size_0:
called_computation_lowered:
.L_overlay_start_0:
0x88: {  	s2 =	sld [smem:$0x3FD9]  }
0x89: {  	s3 =	sld [smem:$0x3FFE];
	_ =	sdelay $0x1  }
0x8a: {  	s1 =	srdreg.scid  }
0x8b: {  	s0 =	sand.u32 $0x1, s1  }
0x8c: {  	s17 =	sshll.u32 s0, $0xA;
	s2 =	sadd.s32 s3, s2  }
0x8d: {  	s2 =	sadd.s32 s2, s17  }
0x8e: {  	[smem:$0x3FC3] =	sst s2  }
0x8f: {  	_ = 	snop  }
0x90: {  	s2 =	sld [smem:$0x3FC7]  }
0x91: {  	s18 =	sld [smem:$0x3FD0];
	(tm) =	ssettm $0x1  }
0x92: {  	s4 =	sld [smem:$0x3FFB];
	_ =	sdelay $0x3  }
0x93: {  	_ =	strace s4  }
0x94: {  	s4 =	sld [smem:$0x3FFC];
	_ =	sdelay $0x3  }
0x95: {  	_ =	strace s4  }
0x96: {  	s4 =	sld [smem:$0x3FFD];
	_ =	sdelay $0x3  }
0x97: {  	_ =	strace s4  }
0x98: {  	_ =	strace $0x8FFFFFFF  }
0x99: {  	s19 =	sld [smem:$0x3FDB];
	_ =	sdelay $0x1  }
0x9a: {  	s5 =	simm.s32 $_scs_section_size  }
0x9b: {  	s6 =	simm.s32 $_size__tile_overlayer_lowered;
	s7 =	simm.s32 $_tile_overlayer_lowered  }
0x9c: {  	s22 =	simm.s32 $0x1BFF;
	s21 =	sshll.u32 s7, $0x1;
	s4 =	sadd.s32 s5, s19  }
0x9d: {  	s8 =	simm.s32 $0x0;
	s20 =	sshll.u32 s6, $0x1;
	s6 =	sadd.s32 s21, s4  }
0x9e: {  	[timem:s8], [sflag:s22] =	dma.local [hbm:s6], s20  }
0x9f: {  	_ =	swait.ge [sflag:s22], s20  }
0xa0: {  	s5 =	ssub.s32 $0x0, s20;
	[sflag:s22] =	ssyncset.done $0x0  }
0xa1: {  	[sflag:s22] =	ssyncadd.s32 s5;
	_ =	sdelay $0x1  }
0xa2: {  	s23 =	simm.s32 $0x1B8B  }
0xa3: {  	_ =	swait.ge [sflag:s23], $0x1  }
0xa4: {  	[sflag:s23] =	ssyncset.done $0x0  }
0xa5: {  	s25 =	simm.s32 $0x1B8E;
	s24 =	sld [smem:$0x3FFE];
	[sflag:s23] =	ssyncadd.s32 $0xFFFFFFFF  }
0xa6: {  	s26 =	simm.s32 $execute0_lowered;
	[smem:$0x3FD2] =	sst s25  }
0xa7: {  	s6 =	sshll.u32 s26, $0x1;
	_ =	strace $0x80000046;
	[dreg:$0x1] =	wrdreg $0xFFFFFFFF  }
0xa8: {  	s28 =	simm.s32 $_size_execute0_lowered;
	s4 =	sadd.s32 s4, s6;
	[dreg:$0x0] =	wrdreg $0x0  }
0xa9: {  	s6 =	sshll.u32 s28, $0x1;
	[dreg:$0x2] =	wrdreg s4  }
0xaa: {  	[dreg:$0x3] =	wrdreg s6  }
0xab: {  	[dreg:$0x4] =	wrdreg $0xC0  }
0xac: {  	_ =	task [dreg:s8], $0x5FFFF  }
0xad: {  	[dreg:$0x1] =	wrdreg $0xFFFFFFFF  }
0xae: {  	[dreg:$0x0] =	wrdreg $0x60  }
0xaf: {  	[dreg:$0x2] =	wrdreg s24  }
0xb0: {  	[dreg:$0x3] =	wrdreg s2  }
0xb1: {  	[dreg:$0x4] =	wrdreg s18  }
0xb2: {  	[dreg:$0x5] =	wrdreg $0x9  }
0xb3: {  	_ =	task.clear_ibuf [dreg:s8], $0x6FFFF;
	_ =	strace $0x90000046  }
0xb4: {  	s29 =	simm.s32 $0x9;
	_ =	strace $0x80000048  }
0xb5: {  	_ =	swait.ge [sflag:s29], $0x1  }
0xb6: {  	[sflag:s29] =	ssyncadd.s32 $0xFFFFFFFF  }
0xb7: {  	_ =	strace $0x90000048  }
0xb8: {  	_ =	sfence  }
0xb9: {  	s30 =	sld [smem:$0x0];
	_ =	sdelay $0x2  }
0xba: {  	s31 =	sshll.u32 s1, $0xD;
	s1 =	sshrl.u32 s1, $0x2  }
0xbb: {  	s3 =	sand.u32 $0x4000, s31;
	s1 =	sadd.s32 s1, s30  }
0xbc: {  	s0 =	sor.u32 s3, s0;
	s1 =	sshll.u32 s1, $0x11  }
0xbd: {  	s0 =	sor.u32 s1, s0  }
0xbe: {  	s0 =	sadd.s32 $0x8F2B, s0  }
0xbf: {  	[sflag:s0] =	ssyncadd.remote.s32 $0x1  }
0xc0: {  	_ =	sfence.sel $0xFFFF  }
0xc1: {  	[dreg:$0x0] =	wrdreg $0xFFFFFFFF;
	(pc) =	sbr.abs _section_cstart, $3  }
0xc2: {  	[dreg:$0x1] =	wrdreg $0xFFFFFFFF  }
0xc3: {  	_ =	task.clear_ibuf [dreg:s8], $0x2FFFF;
	_ =	strace $0x9FFFFFFF  }
0xc4: {  	(tm) =	ssettm $0x7FFFFFFF  }
0xc5: {  	_ =	shalt  }
tec
execute0_lowered:
.L_overlay_start_1:
0x0: {  	(tag) =	ssettag $0x1  }
0x1: {  	s8 =	rddreg [dreg:$0x0]  }
0x2: {  	s1 =	rddreg [dreg:$0x1]  }
0x3: {  	s2 =	rddreg [dreg:$0x2]  }
0x4: {  	s0 =	rddreg [dreg:$0x3]  }
0x5: {  	s3 =	simm.s32 $0x0;
	s4 =	srdreg.scid;
	s13 =	simm.s32 $0x180  }
0x6: {  	s14 =	simm.s32 $0x1;
	s15 =	simm.s32 $0x100;
	s16 =	simm.s32 $0x4180  }
0x7: {  	s17 =	simm.s32 $0x0;
	[smem:$0x7FF] =	sst s3;
	s5 =	sadd.s32 $0x2000, s8  }
0x8: {  	s9 =	sand.u32 $0x1, s4;
	s6 =	sadd.s32 $0x8400, s8;
	s4 =	stileid.u32  }
0x9: {  	s7 =	sadd.s32 $0x400, s8;
	s8 =	sadd.s32 $0x600, s8;
	s10 =	ssub.s32 $0x2, s9  }
0xa: {  	_ =	strace $0x80000047;
	s12 =	sshll.u32 s4, $0x1;
	s11 =	sshrl.u32 s10, $0x1  }
0xb: {  	s9 =	sor.u32 s9, s12;
	s12 =	simm.s32 $0x80;
	s10 =	ssub.s32 s10, s11  }
0xc: {  	s9 =	smul.u32 $0x1900, s9;
	s11 =	simm.s32 $0x2;
	s10 =	smax.u32 s10, $0x1  }
.LBB2_1:
0xd: {  	s18 =	simm.s32 $0x8180  }
0xe: {  	[tilespmem:s18], [sflag:$0x2] =	stream.linear.gather [hbm4b:s8+s3], $0xC800, $0x38;
	[tilespmem:$0x14980] =	vst v63  }
0xf: {  	_ =	swait.ge [sflag:s11], $0xC800  }
0x10: {  	[sflag:s11] =	ssyncset.done $0x0  }
0x11: {  	s19 =	simm.s32 $0x0;
	s20 =	simm.s32 $0x0;
	[sflag:s11] =	ssyncadd.s32 $0xFFFF3800  }
.LBB2_2:
0x12: {  	s21 =	sshll.u32 s20, $0x7  }
0x13: {  	s21 =	sadd.s32 s9, s21  }
0x14: {  	s22 =	sshrl.u32 s21, $0x3  }
0x15: {  	s24 =	simm.s32 $0x0;
	s23 =	sadd.s32 s5, s22  }
0x16: {  	[tilespmem:s24], [sflag:$0x2] =	stream.linear.gather [hbm4b:s23+s24], $0x80, $0x38;
	[tilespmem:$0x14980] =	vst v63  }
0x17: {  	_ =	swait.ge [sflag:s11], $0x80  }
0x18: {  	[sflag:s11] =	ssyncset.done $0x0  }
0x19: {  	s22 =	sadd.s32 s6, s22;
	[sflag:s11] =	ssyncadd.s32 $0xFFFFFF80  }
0x1a: {  	[tilespmem:s12], [sflag:$0x2] =	stream.linear.gather [hbm4b:s22+s24], $0x80, $0x38;
	[tilespmem:$0x14980] =	vst v63  }
0x1b: {  	_ =	swait.ge [sflag:s11], $0x80  }
0x1c: {  	[sflag:s11] =	ssyncset.done $0x0  }
0x1d: {  	[sflag:s11] =	ssyncadd.s32 $0xFFFFFF80  }
0x1e: {  	[tilespmem:s13], [sflag:$0x1] =	stream.indirect.gather [hbm4b:s1+s12], $0x80, s24, s12, $0xb8;
	[tilespmem:$0x14980] =	vst v63  }
0x1f: {  	v0 =	vld [tilespmem:$0x0]  }
0x20: {  	v1 =	vld [tilespmem:$0x80]  }
0x21: {  	v2 =	vld [tilespmem:$0x10]  }
0x22: {  	v3 =	vld [tilespmem:$0x90]  }
0x23: {  	v4 =	vld [tilespmem:$0x20]  }
0x24: {  	v5 =	vld [tilespmem:$0xA0]  }
0x25: {  	v6 =	vld [tilespmem:$0x30]  }
0x26: {  	v7 =	vld [tilespmem:$0xB0]  }
0x27: {  	v8 =	vld [tilespmem:$0x40]  }
0x28: {  	v9 =	vld [tilespmem:$0xC0]  }
0x29: {  	v10 =	vld [tilespmem:$0x50]  }
0x2a: {  	v11 =	vld [tilespmem:$0xD0]  }
0x2b: {  	v12 =	vld [tilespmem:$0x60]  }
0x2c: {  	v13 =	vld [tilespmem:$0xE0];
	vm0 =	veq.s32 v0, $0x0;
	v0 =	vadd.s32 $0x2, v1  }
0x2d: {  	vm9 =	veq.s32 v2, $0x0;
	v2 =	vld [tilespmem:$0x70];
	v0 =	vsel vm0, v0, v1;
	v1 =	vadd.s32 $0x2, v3  }
0x2e: {  	vm10 =	veq.s32 v4, $0x0;
	[tilespmem:$0x100] =	vst v0;
	v0 =	vsel vm9, v1, v3;
	v1 =	vadd.s32 $0x2, v5;
	v3 =	vld [tilespmem:$0xF0]  }
0x2f: {  	vm11 =	veq.s32 v6, $0x0;
	[tilespmem:$0x110] =	vst v0;
	v0 =	vsel vm10, v1, v5;
	v1 =	vadd.s32 $0x2, v7  }
0x30: {  	vm12 =	veq.s32 v8, $0x0;
	[tilespmem:$0x120] =	vst v0;
	v0 =	vsel vm11, v1, v7;
	v1 =	vadd.s32 $0x2, v9  }
0x31: {  	vm13 =	veq.s32 v10, $0x0;
	[tilespmem:$0x130] =	vst v0;
	v0 =	vsel vm12, v1, v9;
	v1 =	vadd.s32 $0x2, v11  }
0x32: {  	vm14 =	veq.s32 v12, $0x0;
	[tilespmem:$0x140] =	vst v0;
	v0 =	vsel vm13, v1, v11;
	v1 =	vadd.s32 $0x2, v13  }
0x33: {  	s31 =	smulhi.u32 $0x51EB851F, s19;
	vm15 =	veq.s32 v2, $0x0;
	v1 =	vsel vm14, v1, v13;
	[tilespmem:$0x150] =	vst v0;
	v0 =	vadd.s32 $0x2, v3  }
0x34: {  	[tilespmem:$0x160] =	vst v1;
	v0 =	vsel vm15, v0, v3  }
0x35: {  	s22 =	sshrl.u32 s31, $0x6;
	[tilespmem:$0x170] =	vst v0  }
0x36: {  	s22 =	smul.u32 $0xFFFE7000, s22;
	_ =	swait.ge [sflag:s14], $0x4000  }
0x37: {  	[sflag:s14] =	ssyncset.done $0x0  }
0x38: {  	s22 =	sshra.s32 s22, $0x2;
	[sflag:s14] =	ssyncadd.s32 $0xFFFFC000  }
0x39: {  	[tilespmem:s16], [sflag:$0x1] =	stream.indirect.gather [hbm4b:s7+s12], $0x80, s15, s12, $0xb8;
	[tilespmem:$0x14980] =	vst v63  }
0x3a: {  	s22 =	sadd.s32 s22, s18;
	_ =	swait.ge [sflag:s14], $0x4000  }
0x3b: {  	v0 =	vmov s22;
	[sflag:s14] =	ssyncset.done $0x0  }
0x3c: {  	s22 =	simm.s32 $0x0;
	[sflag:s14] =	ssyncadd.s32 $0xFFFFC000  }
0x3d: {  	v1 =	vld [tilespmem:s22+$0x4180]  }
0x3e: {  	v2 =	vld [tilespmem:s22+$0x180];
	_ =	sdelay $0x1  }
0x3f: {  	v3 =	vld.idx.msk [tilespmem:v0+s22+$0x0 ss:$0x1], $0xffff;
	_ =	sdelay $0x2  }
0x40: {  	v1 =	vadd.f32 v1, v2;
	_ =	sdelay $0x1  }
0x41: {  	v1 =	vadd.f32 v3, v1  }
0x42: {  	v2 =	vld [tilespmem:s22+$0x4190]  }
0x43: {  	[tilespmem:s22+$0x180] =	vst v1;
	v1 =	vld [tilespmem:s22+$0x190];
	_ =	sdelay $0x1  }
0x44: {  	v3 =	vld.idx.msk [tilespmem:v0+s22+$0x10 ss:$0x1], $0xffff;
	_ =	sdelay $0x2  }
0x45: {  	v1 =	vadd.f32 v2, v1;
	_ =	sdelay $0x1  }
0x46: {  	v1 =	vadd.f32 v3, v1  }
0x47: {  	v2 =	vld [tilespmem:s22+$0x41A0]  }
0x48: {  	[tilespmem:s22+$0x190] =	vst v1;
	v1 =	vld [tilespmem:s22+$0x1A0];
	_ =	sdelay $0x1  }
0x49: {  	v3 =	vld.idx.msk [tilespmem:v0+s22+$0x20 ss:$0x1], $0xffff;
	_ =	sdelay $0x2  }
0x4a: {  	v1 =	vadd.f32 v2, v1;
	_ =	sdelay $0x1  }
0x4b: {  	v1 =	vadd.f32 v3, v1  }
0x4c: {  	v2 =	vld [tilespmem:s22+$0x41B0]  }
0x4d: {  	[tilespmem:s22+$0x1A0] =	vst v1;
	v1 =	vld [tilespmem:s22+$0x1B0];
	_ =	sdelay $0x1  }
0x4e: {  	v3 =	vld.idx.msk [tilespmem:v0+s22+$0x30 ss:$0x1], $0xffff;
	_ =	sdelay $0x2  }
0x4f: {  	v1 =	vadd.f32 v2, v1;
	_ =	sdelay $0x1  }
0x50: {  	v1 =	vadd.f32 v3, v1  }
0x51: {  	v2 =	vld [tilespmem:s22+$0x41C0]  }
0x52: {  	[tilespmem:s22+$0x1B0] =	vst v1;
	v1 =	vld [tilespmem:s22+$0x1C0];
	_ =	sdelay $0x1  }
0x53: {  	v3 =	vld.idx.msk [tilespmem:v0+s22+$0x40 ss:$0x1], $0xffff;
	_ =	sdelay $0x2  }
0x54: {  	v1 =	vadd.f32 v2, v1;
	_ =	sdelay $0x1  }
0x55: {  	v1 =	vadd.f32 v3, v1  }
0x56: {  	v2 =	vld [tilespmem:s22+$0x41D0]  }
0x57: {  	[tilespmem:s22+$0x1C0] =	vst v1;
	v1 =	vld [tilespmem:s22+$0x1D0];
	_ =	sdelay $0x1  }
0x58: {  	v3 =	vld.idx.msk [tilespmem:v0+s22+$0x50 ss:$0x1], $0xffff;
	_ =	sdelay $0x2  }
0x59: {  	v1 =	vadd.f32 v2, v1;
	_ =	sdelay $0x1  }
0x5a: {  	v1 =	vadd.f32 v3, v1  }
0x5b: {  	v2 =	vld [tilespmem:s22+$0x41E0]  }
0x5c: {  	[tilespmem:s22+$0x1D0] =	vst v1;
	v1 =	vld [tilespmem:s22+$0x1E0];
	_ =	sdelay $0x1  }
0x5d: {  	v3 =	vld.idx.msk [tilespmem:v0+s22+$0x60 ss:$0x1], $0xffff;
	_ =	sdelay $0x2  }
0x5e: {  	v1 =	vadd.f32 v2, v1;
	_ =	sdelay $0x1  }
0x5f: {  	v1 =	vadd.f32 v3, v1  }
0x60: {  	v2 =	vld [tilespmem:s22+$0x41F0]  }
0x61: {  	[tilespmem:s22+$0x1E0] =	vst v1;
	v1 =	vld [tilespmem:s22+$0x1F0];
	_ =	sdelay $0x1  }
0x62: {  	v3 =	vld.idx.msk [tilespmem:v0+s22+$0x70 ss:$0x1], $0xffff;
	_ =	sdelay $0x2  }
0x63: {  	v1 =	vadd.f32 v2, v1;
	_ =	sdelay $0x1  }
0x64: {  	s24 =	simm.s32 $0x80;
	v2 =	vadd.f32 v3, v1  }
0x65: {  	s23 =	simm.s32 $0x400;
	v1 =	vld [tilespmem:s24+$0x4180]  }
.LBB2_3:
0x66: {  	p0 =	sne.s32 s23, $0xFE00;
	v3 =	vld [tilespmem:s24+$0x180];
	[tilespmem:s22+$0x1F0] =	vst v2;
	s22 =	smov.u32 s24  }
0x67: {  	v2 =	vld.idx.msk [tilespmem:v0+s22+$0x0 ss:$0x1], $0xffff;
	_ =	sdelay $0x3  }
0x68: {  	v1 =	vadd.f32 v1, v3;
	_ =	sdelay $0x1  }
0x69: {  	v1 =	vadd.f32 v2, v1  }
0x6a: {  	v2 =	vld [tilespmem:s22+$0x4190]  }
0x6b: {  	[tilespmem:s22+$0x180] =	vst v1;
	v1 =	vld [tilespmem:s22+$0x190]  }
0x6c: {  	v3 =	vld.idx.msk [tilespmem:v0+s22+$0x10 ss:$0x1], $0xffff;
	_ =	sdelay $0x3  }
0x6d: {  	v1 =	vadd.f32 v2, v1;
	_ =	sdelay $0x1  }
0x6e: {  	v1 =	vadd.f32 v3, v1  }
0x6f: {  	v2 =	vld [tilespmem:s22+$0x41A0]  }
0x70: {  	[tilespmem:s22+$0x190] =	vst v1;
	v1 =	vld [tilespmem:s22+$0x1A0]  }
0x71: {  	v3 =	vld.idx.msk [tilespmem:v0+s22+$0x20 ss:$0x1], $0xffff;
	_ =	sdelay $0x3  }
0x72: {  	v1 =	vadd.f32 v2, v1;
	_ =	sdelay $0x1  }
0x73: {  	v1 =	vadd.f32 v3, v1  }
0x74: {  	v2 =	vld [tilespmem:s22+$0x41B0]  }
0x75: {  	[tilespmem:s22+$0x1A0] =	vst v1;
	v1 =	vld [tilespmem:s22+$0x1B0]  }
0x76: {  	v3 =	vld.idx.msk [tilespmem:v0+s22+$0x30 ss:$0x1], $0xffff;
	_ =	sdelay $0x3  }
0x77: {  	v1 =	vadd.f32 v2, v1;
	_ =	sdelay $0x1  }
0x78: {  	v1 =	vadd.f32 v3, v1  }
0x79: {  	v2 =	vld [tilespmem:s22+$0x41C0]  }
0x7a: {  	[tilespmem:s22+$0x1B0] =	vst v1;
	v1 =	vld [tilespmem:s22+$0x1C0]  }
0x7b: {  	v3 =	vld.idx.msk [tilespmem:v0+s22+$0x40 ss:$0x1], $0xffff;
	_ =	sdelay $0x3  }
0x7c: {  	v1 =	vadd.f32 v2, v1;
	_ =	sdelay $0x1  }
0x7d: {  	v1 =	vadd.f32 v3, v1  }
0x7e: {  	v2 =	vld [tilespmem:s22+$0x41D0]  }
0x7f: {  	[tilespmem:s22+$0x1C0] =	vst v1;
	v1 =	vld [tilespmem:s22+$0x1D0]  }
0x80: {  	v3 =	vld.idx.msk [tilespmem:v0+s22+$0x50 ss:$0x1], $0xffff;
	_ =	sdelay $0x3  }
0x81: {  	v1 =	vadd.f32 v2, v1;
	_ =	sdelay $0x1  }
0x82: {  	v1 =	vadd.f32 v3, v1  }
0x83: {  	v2 =	vld [tilespmem:s22+$0x41E0]  }
0x84: {  	[tilespmem:s22+$0x1D0] =	vst v1;
	v1 =	vld [tilespmem:s22+$0x1E0]  }
0x85: {  	v3 =	vld.idx.msk [tilespmem:v0+s22+$0x60 ss:$0x1], $0xffff;
	_ =	sdelay $0x3  }
0x86: {  	v1 =	vadd.f32 v2, v1;
	_ =	sdelay $0x1  }
0x87: {  	v1 =	vadd.f32 v3, v1  }
0x88: {  	v2 =	vld [tilespmem:s22+$0x41F0]  }
0x89: {  	[tilespmem:s22+$0x1E0] =	vst v1;
	v1 =	vld [tilespmem:s22+$0x1F0]  }
0x8a: {  	v3 =	vld.idx.msk [tilespmem:v0+s22+$0x70 ss:$0x1], $0xffff;
	_ =	sdelay $0x2  }
.Ltmp0:
0x8b: {  	(pc) =	sbr.rel @p0 .LBB2_3-.Ltmp0, $3  }
0x8c: {  	v1 =	vadd.f32 v2, v1;
	_ =	sdelay $0x1  }
0x8d: {  	s24 =	sshra.s32 s23, $0x2;
	v2 =	vadd.f32 v3, v1  }
0x8e: {  	s23 =	sadd.s32 $0x200, s23;
	v1 =	vld [tilespmem:s24+$0x4180]  }
0x8f: {  	_ =	sdelay $0x1  }
0x90: {  	v3 =	vld [tilespmem:s24+$0x180]  }
0x91: {  	[tilespmem:s22+$0x1F0] =	vst v2  }
0x92: {  	v2 =	vld.idx.msk [tilespmem:v0+s24+$0x0 ss:$0x1], $0xffff;
	_ =	sdelay $0x2  }
0x93: {  	v1 =	vadd.f32 v1, v3;
	_ =	sdelay $0x1  }
0x94: {  	v43 =	vld [tilespmem:s24+$0x4190];
	v1 =	vadd.f32 v2, v1  }
0x95: {  	v44 =	vld [tilespmem:s24+$0x190]  }
0x96: {  	[tilespmem:s24+$0x180] =	vst v1  }
0x97: {  	v45 =	vld.idx.msk [tilespmem:v0+s24+$0x10 ss:$0x1], $0xffff;
	_ =	sdelay $0x2  }
0x98: {  	v1 =	vadd.f32 v43, v44;
	_ =	sdelay $0x1  }
0x99: {  	v46 =	vld [tilespmem:s24+$0x41A0];
	v1 =	vadd.f32 v45, v1  }
0x9a: {  	v47 =	vld [tilespmem:s24+$0x1A0]  }
0x9b: {  	[tilespmem:s24+$0x190] =	vst v1  }
0x9c: {  	v48 =	vld.idx.msk [tilespmem:v0+s24+$0x20 ss:$0x1], $0xffff;
	_ =	sdelay $0x2  }
0x9d: {  	v1 =	vadd.f32 v46, v47;
	_ =	sdelay $0x1  }
0x9e: {  	v49 =	vld [tilespmem:s24+$0x41B0];
	v1 =	vadd.f32 v48, v1  }
0x9f: {  	v50 =	vld [tilespmem:s24+$0x1B0]  }
0xa0: {  	[tilespmem:s24+$0x1A0] =	vst v1  }
0xa1: {  	v51 =	vld.idx.msk [tilespmem:v0+s24+$0x30 ss:$0x1], $0xffff;
	_ =	sdelay $0x2  }
0xa2: {  	v1 =	vadd.f32 v49, v50;
	_ =	sdelay $0x1  }
0xa3: {  	v52 =	vld [tilespmem:s24+$0x41C0];
	v1 =	vadd.f32 v51, v1  }
0xa4: {  	v53 =	vld [tilespmem:s24+$0x1C0]  }
0xa5: {  	[tilespmem:s24+$0x1B0] =	vst v1  }
0xa6: {  	v54 =	vld.idx.msk [tilespmem:v0+s24+$0x40 ss:$0x1], $0xffff;
	_ =	sdelay $0x2  }
0xa7: {  	v1 =	vadd.f32 v52, v53;
	_ =	sdelay $0x1  }
0xa8: {  	v55 =	vld [tilespmem:s24+$0x41D0];
	v1 =	vadd.f32 v54, v1  }
0xa9: {  	v56 =	vld [tilespmem:s24+$0x1D0]  }
0xaa: {  	[tilespmem:s24+$0x1C0] =	vst v1  }
0xab: {  	v57 =	vld.idx.msk [tilespmem:v0+s24+$0x50 ss:$0x1], $0xffff;
	_ =	sdelay $0x2  }
0xac: {  	v1 =	vadd.f32 v55, v56;
	_ =	sdelay $0x1  }
0xad: {  	v58 =	vld [tilespmem:s24+$0x41E0];
	v1 =	vadd.f32 v57, v1  }
0xae: {  	v59 =	vld [tilespmem:s24+$0x1E0]  }
0xaf: {  	[tilespmem:s24+$0x1D0] =	vst v1  }
0xb0: {  	v60 =	vld.idx.msk [tilespmem:v0+s24+$0x60 ss:$0x1], $0xffff;
	_ =	sdelay $0x2  }
0xb1: {  	v1 =	vadd.f32 v58, v59;
	_ =	sdelay $0x1  }
0xb2: {  	v61 =	vld [tilespmem:s24+$0x41F0];
	v1 =	vadd.f32 v60, v1  }
0xb3: {  	v62 =	vld [tilespmem:s24+$0x1F0]  }
0xb4: {  	[tilespmem:s24+$0x1E0] =	vst v1  }
0xb5: {  	v63 =	vld.idx.msk [tilespmem:v0+s24+$0x70 ss:$0x1], $0xffff;
	_ =	sdelay $0x2  }
0xb6: {  	v1 =	vadd.f32 v61, v62;
	_ =	sdelay $0x1  }
0xb7: {  	s20 =	sadd.s32 $0x1, s20;
	v0 =	vadd.f32 v63, v1  }
0xb8: {  	s21 =	sshll.u32 s21, $0x4;
	p0 =	sne.s32 s20, $0x32  }
.Ltmp1:
0xb9: {  	s21 =	sadd.s32 s2, s21;
	[tilespmem:s24+$0x1F0] =	vst v0;
	(pc) =	sbr.rel @p0 .LBB2_2-.Ltmp1, $4  }
0xba: {  	[hbm4b:s21+s3] =	stream.linear.scatter [tilespmem:s13], [sflag:$0x2], $0x4000, $0x38;
	[tilespmem:$0x14980] =	vst v63  }
0xbb: {  	_ =	swait.ge [sflag:s11], $0x4000  }
0xbc: {  	[sflag:s11] =	ssyncset.done $0x0  }
0xbd: {  	s18 =	sadd.s32 $0x4000, s18;
	s19 =	sadd.s32 $0x80, s19;
	[sflag:s11] =	ssyncadd.s32 $0xFFFFC000  }
0xbe: {  	s17 =	sadd.s32 $0x1, s17  }
0xbf: {  	p0 =	sne.s32 s17, s10  }
.Ltmp2:
0xc0: {  	_ = 	snop;
	(pc) =	sbr.rel @p0 .LBB2_1-.Ltmp2, $1  }
0xc1: {  	_ =	sdelay $0x3  }
0xc2: {  	_ =	sfence.sel $0x180000  }
0xc3: {  	[bflag:$0x0] =	sbarrier.arrive $0xFFFF  }
0xc4: {  	p0 =	sne.s32 s4, $0x0;
	_ =	strace $0x90000047  }
0xc5: {  	s0 =	sadd.s32 @!p0 $0x100000, s0;
	[bflag:$0x2] =	sbarrier.arrive $0xFFFF  }
0xc6: {  	[sflag:s0] =	ssyncadd.tile.s32 @!p0 $0x1;
	_ =	shalt  }
.Lfunc_end2:
_tile_overlayer_lowered:
.L_overlay_start_2:
0xc7: {  	(tag) =	ssettag $0x2  }
0xc8: {  	s0 =	rddreg [dreg:$0x0];
	s2 =	stileid.u32  }
0xc9: {  	s1 =	rddreg [dreg:$0x1];
	p0 =	sne.s32 s2, $0x0  }
0xca: {  	s3 =	rddreg [dreg:$0x2];
	[bflag:$0x3] =	sbarrier.arrive $0xFFFF;
	s2 =	simm.s32 @!p0 $0x1C02  }
0xcb: {  	[timem:s3], [sflag:s2] =	dma.local @!p0 [hbm:s0], s1  }
0xcc: {  	s0 =	simm.s32 @!p0 $0x2  }
0xcd: {  	_ =	swait.ge @!p0 [sflag:s0], s1  }
0xce: {  	s1 =	ssub.s32 @!p0 $0x0, s1;
	[sflag:s0] =	ssyncset.done @!p0 $0x0  }
0xcf: {  	[sflag:s0] =	ssyncadd.s32 @!p0 s1  }
0xd0: {  	[bflag:$0x3] =	sbarrier.arrive $0xFFFF  }
0xd1: {  	_ =	shalt  }

</sc_bundles>
